<compile_context>
chip_gen: v7x
topology: tpu7x:2x2x1
jax: 0.10.2.dev20260603
libtpu: 0.0.44.dev20260713+nightly
codegen_flags: <defaults>
</compile_context>

<pallas_src>
import jax
import jax.numpy as jnp
from jax import lax
from jax.experimental import pallas as pl

_N = 2000
_K = 30
_D = 64
_ALPHA = 3.0
_BM = 200


def _embed_body(x_ref, w_ref, b_ref, n_ref):
    x = x_ref[:]
    w = w_ref[:]
    acc = lax.dot_general(x, w, (((1,), (1,)), ((), ())),
                          preferred_element_type=jnp.float32)
    n_ref[:] = jnp.tanh(_ALPHA * (acc + b_ref[:]))


def _adj_body(nrow_ref, nfull_ref, nz0_ref, nz1_ref, nz2_ref, nz3_ref,
              o0_ref, o1_ref, o2_ref, o3_ref):
    nb = nrow_ref[:]
    r = nb[:, 0 * _D:1 * _D]
    i = nb[:, 1 * _D:2 * _D]
    j = nb[:, 2 * _D:3 * _D]
    k = nb[:, 3 * _D:4 * _D]
    rows = (
        jnp.concatenate([r, -i, -j, -k], axis=1),
        jnp.concatenate([i, r, -k, j], axis=1),
        jnp.concatenate([j, k, r, -i], axis=1),
        jnp.concatenate([k, -j, i, r], axis=1),
    )
    nz_refs = (nz0_ref, nz1_ref, nz2_ref, nz3_ref)
    o_refs = (o0_ref, o1_ref, o2_ref, o3_ref)
    nfull = nfull_ref[:]
    for t in range(4):
        a = lax.dot_general(rows[t], nfull, (((1,), (1,)), ((), ())),
                            preferred_element_type=jnp.float32)
        s = jnp.maximum(jnp.tanh(_ALPHA * a), 0.0)
        v = s + nz_refs[t][:]
        vb = lax.bitcast_convert_type(v, jnp.int32)

        def bisect(step, carry):
            lo, hi = carry
            mid = lo + ((hi - lo + 1) >> 1)
            cnt = jnp.sum(jnp.where(vb >= mid, 1.0, 0.0), axis=1,
                          keepdims=True)
            ge = cnt >= _K
            return jnp.where(ge, mid, lo), jnp.where(ge, hi, mid - 1)

        lo0 = jnp.zeros((v.shape[0], 1), jnp.int32)
        hi0 = jnp.full((v.shape[0], 1), 0x3F828F5E, jnp.int32)
        kth, _ = lax.fori_loop(0, 30, bisect, (lo0, hi0))

        gt = vb > kth
        eq = vb == kth
        need = _K - jnp.sum(jnp.where(gt, 1.0, 0.0), axis=1, keepdims=True)
        iota = lax.broadcasted_iota(jnp.int32, v.shape, 1)

        def ibisect(step, carry):
            lo, hi = carry
            mid = (lo + hi) >> 1
            cnt = jnp.sum(jnp.where(eq & (iota <= mid), 1.0, 0.0), axis=1,
                          keepdims=True)
            ok = cnt >= need
            return jnp.where(ok, lo, mid), jnp.where(ok, mid, hi)

        lo0 = jnp.full((v.shape[0], 1), -1, jnp.int32)
        hi0 = jnp.full((v.shape[0], 1), _N - 1, jnp.int32)
        _, jsel = lax.fori_loop(0, 11, ibisect, (lo0, hi0))
        tie_ok = (iota <= jsel) & (need >= 1.0)
        mask = jnp.where(gt | (eq & tie_ok), 1.0, 0.0)
        o_refs[t][:] = s * mask


def kernel(idx, emb, W, b):
    x = jnp.take(emb, idx, axis=0)
    n = pl.pallas_call(
        _embed_body,
        out_shape=jax.ShapeDtypeStruct((_N, 4 * _D), jnp.float32),
    )(x, W, b.reshape(1, 4 * _D))

    nkey = jax.random.key(42)
    noise = [jax.random.uniform(jax.random.fold_in(nkey, t), (_N, _N),
                                dtype=jnp.float32) * 0.01 for t in range(4)]

    grid = (_N // _BM,)
    oshape = jax.ShapeDtypeStruct((_N, _N), jnp.float32)
    blk = pl.BlockSpec((_BM, _N), lambda m: (m, 0))
    outs = pl.pallas_call(
        _adj_body,
        grid=grid,
        in_specs=[
            pl.BlockSpec((_BM, 4 * _D), lambda m: (m, 0)),
            pl.BlockSpec((_N, 4 * _D), lambda m: (0, 0)),
            blk, blk, blk, blk,
        ],
        out_specs=(blk, blk, blk, blk),
        out_shape=(oshape, oshape, oshape, oshape),
    )(n, n, *noise)
    return tuple(outs)

# --- scband reference (transcript-rebuilt; emitter-appended) ---
"""Pipeline reference for scband-graph-constructor-quaternion-11338713661512 (READ-ONLY COPY).

The authoritative reference and input builder live on the scoring server;
editing this copy changes nothing except your own understanding.
"""

import jax, jax.numpy as jnp
import numpy as np

NNODES = 2000
K = 30
DIM = 64
ALPHA = 3.0


def setup_inputs(seed: int = 0) -> dict:
    key = jax.random.key(seed)
    k1, k2, k3 = jax.random.split(key, 3)
    idx = jnp.arange(NNODES, dtype=jnp.int32)
    # nn.Embedding default init: N(0, 1)
    emb = jax.random.normal(k1, (NNODES, DIM), dtype=jnp.float32)
    # nn.Linear(dim, 4*dim): weight [4*dim, dim], bias [4*dim]
    bound = 1.0 / np.sqrt(DIM)
    W = jax.random.uniform(k2, (4 * DIM, DIM), dtype=jnp.float32, minval=-bound, maxval=bound)
    b = jax.random.uniform(k3, (4 * DIM,), dtype=jnp.float32, minval=-bound, maxval=bound)
    return {"idx": idx, "emb": emb, "W": W, "b": b}


def reference(idx, emb, W, b):
    nodevec1 = jnp.take(emb, idx, axis=0)
    nodevec2 = jnp.take(emb, idx, axis=0)
    nodevec1 = jnp.tanh(ALPHA * (nodevec1 @ W.T + b))
    nodevec2 = jnp.tanh(ALPHA * (nodevec2 @ W.T + b))
    r, i, j, k = jnp.split(nodevec1, 4, axis=1)
    r2 = jnp.concatenate([r, -i, -j, -k], axis=1)
    i2 = jnp.concatenate([i, r, -k, j], axis=1)
    j2 = jnp.concatenate([j, k, r, -i], axis=1)
    k2 = jnp.concatenate([k, -j, i, r], axis=1)
    hamilton1 = jnp.concatenate([r2, i2, j2, k2], axis=0)
    a = hamilton1 @ nodevec2.T
    adj = jax.nn.relu(jnp.tanh(ALPHA * a))
    parts = jnp.split(adj, 4, axis=0)
    nkey = jax.random.key(42)
    row_idx = jnp.arange(parts[0].shape[0])[:, None]
    outs = []
    for t, p in enumerate(parts):
        noise = jax.random.uniform(jax.random.fold_in(nkey, t), p.shape, dtype=jnp.float32) * 0.01
        _, t1 = jax.lax.top_k(p + noise, K)
        mask = jnp.zeros_like(p).at[row_idx, t1].set(1.0)
        outs.append(p * mask)
    return tuple(outs)

if __name__ == "__main__":
    import jax
    _d = setup_inputs()
    print(jax.jit(kernel)(*tuple(_d.values())))

</pallas_src>

<mosaic_0001>
module attributes {stable_mosaic.version = 14 : i64} {
  func.func @_embed_body(%arg0: memref<2000x64xf32, #tpu.memory_space<vmem>>, %arg1: memref<256x64xf32, #tpu.memory_space<vmem>>, %arg2: memref<1x256xf32, #tpu.memory_space<vmem>>, %arg3: memref<2000x256xf32, #tpu.memory_space<vmem>>) attributes {dimension_semantics = [], scalar_prefetch = 0 : i64, scratch_operands = 0 : i64, tpu.core_type = #tpu.core_type<tc>} {
    %get3A = arith.constant 0 : index
    %get3A_0 = arith.constant 0 : index
    %get3A_1 = vector.load %arg0[%get3A, %get3A_0] : memref<2000x64xf32, #tpu.memory_space<vmem>>, vector<2000x64xf32>
    %get3A_2 = arith.constant 0 : index
    %get3A_3 = arith.constant 0 : index
    %get3A_4 = vector.load %arg1[%get3A_2, %get3A_3] : memref<256x64xf32, #tpu.memory_space<vmem>>, vector<256x64xf32>
    %dot_general3A = arith.constant dense<0.000000e+00> : vector<2000x256xf32>
    %dot_general3A_5 = tpu.matmul %get3A_1, %get3A_4, %dot_general3A {dimension_numbers = #tpu.dot_dimension_numbers<[1], [1], [0], [0], [0, 0, 1, 0], [], []>, transpose_lhs_hint = false} : vector<2000x64xf32>, vector<256x64xf32>, vector<2000x256xf32> -> vector<2000x256xf32>
    %get3A_6 = arith.constant 0 : index
    %get3A_7 = arith.constant 0 : index
    %get3A_8 = vector.load %arg2[%get3A_6, %get3A_7] : memref<1x256xf32, #tpu.memory_space<vmem>>, vector<1x256xf32>
    %add3A = vector.broadcast %get3A_8 : vector<1x256xf32> to vector<2000x256xf32>
    %add3A_9 = arith.addf %dot_general3A_5, %add3A : vector<2000x256xf32>
    %mul3A = arith.constant 3.000000e+00 : f32
    %mul3A_10 = vector.broadcast %mul3A : f32 to vector<2000x256xf32>
    %mul3A_11 = arith.mulf %mul3A_10, %add3A_9 : vector<2000x256xf32>
    %tanh3A = math.tanh %mul3A_11 : vector<2000x256xf32>
    %swap3A = arith.constant 0 : index
    %swap3A_12 = arith.constant 0 : index
    %swap3A_13 = vector.load %arg3[%swap3A, %swap3A_12] : memref<2000x256xf32, #tpu.memory_space<vmem>>, vector<2000x256xf32>
    tpu.vector_store %arg3[%swap3A, %swap3A_12], %tanh3A {strides = array<i32>} : memref<2000x256xf32, #tpu.memory_space<vmem>>, vector<2000x256xf32>,
    return
  }
}

module attributes {stable_mosaic.version = 14 : i64} {
  func.func @_adj_body(%arg0: i32, %arg1: memref<200x256xf32, #tpu.memory_space<vmem>>, %arg2: memref<2000x256xf32, #tpu.memory_space<vmem>>, %arg3: memref<200x2000xf32, #tpu.memory_space<vmem>>, %arg4: memref<200x2000xf32, #tpu.memory_space<vmem>>, %arg5: memref<200x2000xf32, #tpu.memory_space<vmem>>, %arg6: memref<200x2000xf32, #tpu.memory_space<vmem>>, %arg7: memref<200x2000xf32, #tpu.memory_space<vmem>>, %arg8: memref<200x2000xf32, #tpu.memory_space<vmem>>, %arg9: memref<200x2000xf32, #tpu.memory_space<vmem>>, %arg10: memref<200x2000xf32, #tpu.memory_space<vmem>>) attributes {dimension_semantics = [#tpu.dimension_semantics<arbitrary>], iteration_bounds = array<i64: 10>, scalar_prefetch = 0 : i64, scratch_operands = 0 : i64, tpu.core_type = #tpu.core_type<tc>, window_params = [{transform_indices = @transform_0, window_bounds = array<i64: 200, 256>}, {pipeline_mode = #tpu.pipeline_mode<synchronous>, transform_indices = @transform_1, window_bounds = array<i64: 2000, 256>}, {transform_indices = @transform_2, window_bounds = array<i64: 200, 2000>}, {transform_indices = @transform_3, window_bounds = array<i64: 200, 2000>}, {transform_indices = @transform_4, window_bounds = array<i64: 200, 2000>}, {transform_indices = @transform_5, window_bounds = array<i64: 200, 2000>}, {transform_indices = @transform_6, window_bounds = array<i64: 200, 2000>}, {transform_indices = @transform_7, window_bounds = array<i64: 200, 2000>}, {transform_indices = @transform_8, window_bounds = array<i64: 200, 2000>}, {transform_indices = @transform_9, window_bounds = array<i64: 200, 2000>}]} {
    %get3A = arith.constant 0 : index
    %get3A_0 = arith.constant 0 : index
    %get3A_1 = vector.load %arg1[%get3A, %get3A_0] : memref<200x256xf32, #tpu.memory_space<vmem>>, vector<200x256xf32>
    %slice3A = vector.extract_strided_slice %get3A_1 {offsets = [0, 0], sizes = [200, 64], strides = [1, 1]} : vector<200x256xf32> to vector<200x64xf32>
    %slice3A_2 = vector.extract_strided_slice %get3A_1 {offsets = [0, 64], sizes = [200, 64], strides = [1, 1]} : vector<200x256xf32> to vector<200x64xf32>
    %slice3A_3 = vector.extract_strided_slice %get3A_1 {offsets = [0, 128], sizes = [200, 64], strides = [1, 1]} : vector<200x256xf32> to vector<200x64xf32>
    %slice3A_4 = vector.extract_strided_slice %get3A_1 {offsets = [0, 192], sizes = [200, 64], strides = [1, 1]} : vector<200x256xf32> to vector<200x64xf32>
    %neg3A = arith.constant 0.000000e+00 : f32
    %neg3A_5 = vector.broadcast %neg3A : f32 to vector<200x64xf32>
    %neg3A_6 = arith.subf %neg3A_5, %slice3A_2 : vector<200x64xf32>
    %neg3A_7 = arith.constant 0.000000e+00 : f32
    %neg3A_8 = vector.broadcast %neg3A_7 : f32 to vector<200x64xf32>
    %neg3A_9 = arith.subf %neg3A_8, %slice3A_3 : vector<200x64xf32>
    %neg3A_10 = arith.constant 0.000000e+00 : f32
    %neg3A_11 = vector.broadcast %neg3A_10 : f32 to vector<200x64xf32>
    %neg3A_12 = arith.subf %neg3A_11, %slice3A_4 : vector<200x64xf32>
    %concatenate3A = tpu.concatenate %slice3A, %neg3A_6, %neg3A_9, %neg3A_12 in 1 : vector<200x64xf32>, vector<200x64xf32>, vector<200x64xf32>, vector<200x64xf32> -> vector<200x256xf32>
    %neg3A_13 = arith.constant 0.000000e+00 : f32
    %neg3A_14 = vector.broadcast %neg3A_13 : f32 to vector<200x64xf32>
    %neg3A_15 = arith.subf %neg3A_14, %slice3A_4 : vector<200x64xf32>
    %concatenate3A_16 = tpu.concatenate %slice3A_2, %slice3A, %neg3A_15, %slice3A_3 in 1 : vector<200x64xf32>, vector<200x64xf32>, vector<200x64xf32>, vector<200x64xf32> -> vector<200x256xf32>
    %neg3A_17 = arith.constant 0.000000e+00 : f32
    %neg3A_18 = vector.broadcast %neg3A_17 : f32 to vector<200x64xf32>
    %neg3A_19 = arith.subf %neg3A_18, %slice3A_2 : vector<200x64xf32>
    %concatenate3A_20 = tpu.concatenate %slice3A_3, %slice3A_4, %slice3A, %neg3A_19 in 1 : vector<200x64xf32>, vector<200x64xf32>, vector<200x64xf32>, vector<200x64xf32> -> vector<200x256xf32>
    %neg3A_21 = arith.constant 0.000000e+00 : f32
    %neg3A_22 = vector.broadcast %neg3A_21 : f32 to vector<200x64xf32>
    %neg3A_23 = arith.subf %neg3A_22, %slice3A_3 : vector<200x64xf32>
    %concatenate3A_24 = tpu.concatenate %slice3A_4, %neg3A_23, %slice3A_2, %slice3A in 1 : vector<200x64xf32>, vector<200x64xf32>, vector<200x64xf32>, vector<200x64xf32> -> vector<200x256xf32>
    %get3A_25 = arith.constant 0 : index
    %get3A_26 = arith.constant 0 : index
    %get3A_27 = vector.load %arg2[%get3A_25, %get3A_26] : memref<2000x256xf32, #tpu.memory_space<vmem>>, vector<2000x256xf32>
    %dot_general3A = arith.constant dense<0.000000e+00> : vector<200x2000xf32>
    %dot_general3A_28 = tpu.matmul %concatenate3A, %get3A_27, %dot_general3A {dimension_numbers = #tpu.dot_dimension_numbers<[1], [1], [0], [0], [0, 0, 1, 0], [], []>, transpose_lhs_hint = false} : vector<200x256xf32>, vector<2000x256xf32>, vector<200x2000xf32> -> vector<200x2000xf32>
    %mul3A = arith.constant 3.000000e+00 : f32
    %mul3A_29 = vector.broadcast %mul3A : f32 to vector<200x2000xf32>
    %mul3A_30 = arith.mulf %mul3A_29, %dot_general3A_28 : vector<200x2000xf32>
    %tanh3A = math.tanh %mul3A_30 : vector<200x2000xf32>
    %max3A = arith.constant 0.000000e+00 : f32
    %max3A_31 = vector.broadcast %max3A : f32 to vector<200x2000xf32>
    %max3A_32 = arith.maximumf %tanh3A, %max3A_31 : vector<200x2000xf32>
    %get3A_33 = arith.constant 0 : index
    %get3A_34 = arith.constant 0 : index
    %get3A_35 = vector.load %arg3[%get3A_33, %get3A_34] : memref<200x2000xf32, #tpu.memory_space<vmem>>, vector<200x2000xf32>
    %add3A = arith.addf %max3A_32, %get3A_35 : vector<200x2000xf32>
    %bitcast_convert_type3A = tpu.bitcast %add3A : vector<200x2000xf32> -> vector<200x2000xi32>
    %broadcast_in_dim3A = arith.constant 0 : i32
    %broadcast_in_dim3A_36 = vector.broadcast %broadcast_in_dim3A : i32 to vector<200x1xi32>
    %broadcast_in_dim3A_37 = arith.constant 1065520990 : i32
    %broadcast_in_dim3A_38 = vector.broadcast %broadcast_in_dim3A_37 : i32 to vector<200x1xi32>
    %scan3A = arith.constant 0 : i32
    %scan3A_39 = arith.constant 30 : i32
    %scan3A_40 = arith.addi %scan3A, %scan3A_39 : i32
    %scan3A_41 = arith.constant 1 : i32
    %scan3A_42:2 = scf.for %scan3A_272 = %scan3A to %scan3A_40 step %scan3A_41 iter_args(%scan3A_273 = %broadcast_in_dim3A_36, %scan3A_274 = %broadcast_in_dim3A_38) -> (vector<200x1xi32>, vector<200x1xi32>)  : i32 {
      %sub3A_275 = arith.subi %scan3A_274, %scan3A_273 : vector<200x1xi32>
      %add3A_276 = arith.constant 1 : i32
      %add3A_277 = vector.broadcast %add3A_276 : i32 to vector<200x1xi32>
      %add3A_278 = arith.addi %sub3A_275, %add3A_277 : vector<200x1xi32>
      %shift_right_arithmetic3A = arith.constant 1 : i32
      %shift_right_arithmetic3A_279 = vector.broadcast %shift_right_arithmetic3A : i32 to vector<200x1xi32>
      %shift_right_arithmetic3A_280 = arith.shrsi %add3A_278, %shift_right_arithmetic3A_279 : vector<200x1xi32>
      %add3A_281 = arith.addi %scan3A_273, %shift_right_arithmetic3A_280 : vector<200x1xi32>
      %ge3A_282 = vector.broadcast %add3A_281 : vector<200x1xi32> to vector<200x2000xi32>
      %ge3A_283 = arith.cmpi sge, %bitcast_convert_type3A, %ge3A_282 : vector<200x2000xi32>
      %jit3A_284 = arith.constant 1.000000e+00 : f32
      %jit3A_285 = arith.constant 0.000000e+00 : f32
      %broadcast_in_dim3A_286 = vector.broadcast %jit3A_284 : f32 to vector<200x2000xf32>
      %broadcast_in_dim3A_287 = vector.broadcast %jit3A_285 : f32 to vector<200x2000xf32>
      %select_n3A_288 = arith.select %ge3A_283, %broadcast_in_dim3A_286, %broadcast_in_dim3A_287 : vector<200x2000xi1>, vector<200x2000xf32>
      %reduce_sum3A_289 = arith.constant dense<0.000000e+00> : vector<200xf32>
      %reduce_sum3A_290 = vector.multi_reduction <add>, %select_n3A_288, %reduce_sum3A_289 [1] : vector<200x2000xf32> to vector<200xf32>
      %broadcast_in_dim3A_291 = vector.shape_cast %reduce_sum3A_290 : vector<200xf32> to vector<200x1xf32>
      %ge3A_292 = arith.constant 3.000000e+01 : f32
      %ge3A_293 = vector.broadcast %ge3A_292 : f32 to vector<200x1xf32>
      %ge3A_294 = arith.cmpf oge, %broadcast_in_dim3A_291, %ge3A_293 : vector<200x1xf32>
      %select_n3A_295 = arith.select %ge3A_294, %add3A_281, %scan3A_273 : vector<200x1xi1>, vector<200x1xi32>
      %sub3A_296 = arith.constant 1 : i32
      %sub3A_297 = vector.broadcast %sub3A_296 : i32 to vector<200x1xi32>
      %sub3A_298 = arith.subi %add3A_281, %sub3A_297 : vector<200x1xi32>
      %select_n3A_299 = arith.select %ge3A_294, %scan3A_274, %sub3A_298 : vector<200x1xi1>, vector<200x1xi32>
      scf.yield %select_n3A_295, %select_n3A_299 : vector<200x1xi32>, vector<200x1xi32>
    }
    %gt3A = vector.broadcast %scan3A_42#0 : vector<200x1xi32> to vector<200x2000xi32>
    %gt3A_43 = arith.cmpi sgt, %bitcast_convert_type3A, %gt3A : vector<200x2000xi32>
    %eq3A = vector.broadcast %scan3A_42#0 : vector<200x1xi32> to vector<200x2000xi32>
    %eq3A_44 = arith.cmpi eq, %bitcast_convert_type3A, %eq3A : vector<200x2000xi32>
    %jit3A = arith.constant 1.000000e+00 : f32
    %jit3A_45 = arith.constant 0.000000e+00 : f32
    %broadcast_in_dim3A_46 = vector.broadcast %jit3A : f32 to vector<200x2000xf32>
    %broadcast_in_dim3A_47 = vector.broadcast %jit3A_45 : f32 to vector<200x2000xf32>
    %select_n3A = arith.select %gt3A_43, %broadcast_in_dim3A_46, %broadcast_in_dim3A_47 : vector<200x2000xi1>, vector<200x2000xf32>
    %reduce_sum3A = arith.constant dense<0.000000e+00> : vector<200xf32>
    %reduce_sum3A_48 = vector.multi_reduction <add>, %select_n3A, %reduce_sum3A [1] : vector<200x2000xf32> to vector<200xf32>
    %broadcast_in_dim3A_49 = vector.shape_cast %reduce_sum3A_48 : vector<200xf32> to vector<200x1xf32>
    %sub3A = arith.constant 3.000000e+01 : f32
    %sub3A_50 = vector.broadcast %sub3A : f32 to vector<200x1xf32>
    %sub3A_51 = arith.subf %sub3A_50, %broadcast_in_dim3A_49 : vector<200x1xf32>
    %iota3A = tpu.iota {dimensions = array<i32: 1>} : vector<200x2000xi32>
    %broadcast_in_dim3A_52 = arith.constant -1 : i32
    %broadcast_in_dim3A_53 = vector.broadcast %broadcast_in_dim3A_52 : i32 to vector<200x1xi32>
    %broadcast_in_dim3A_54 = arith.constant 1999 : i32
    %broadcast_in_dim3A_55 = vector.broadcast %broadcast_in_dim3A_54 : i32 to vector<200x1xi32>
    %scan3A_56 = arith.constant 0 : i32
    %scan3A_57 = arith.constant 11 : i32
    %scan3A_58 = arith.addi %scan3A_56, %scan3A_57 : i32
    %scan3A_59 = arith.constant 1 : i32
    %scan3A_60:2 = scf.for %scan3A_272 = %scan3A_56 to %scan3A_58 step %scan3A_59 iter_args(%scan3A_273 = %broadcast_in_dim3A_53, %scan3A_274 = %broadcast_in_dim3A_55) -> (vector<200x1xi32>, vector<200x1xi32>)  : i32 {
      %add3A_275 = arith.addi %scan3A_273, %scan3A_274 : vector<200x1xi32>
      %shift_right_arithmetic3A = arith.constant 1 : i32
      %shift_right_arithmetic3A_276 = vector.broadcast %shift_right_arithmetic3A : i32 to vector<200x1xi32>
      %shift_right_arithmetic3A_277 = arith.shrsi %add3A_275, %shift_right_arithmetic3A_276 : vector<200x1xi32>
      %le3A_278 = vector.broadcast %shift_right_arithmetic3A_277 : vector<200x1xi32> to vector<200x2000xi32>
      %le3A_279 = arith.cmpi sle, %iota3A, %le3A_278 : vector<200x2000xi32>
      %and3A_280 = arith.andi %eq3A_44, %le3A_279 : vector<200x2000xi1>
      %jit3A_281 = arith.constant 1.000000e+00 : f32
      %jit3A_282 = arith.constant 0.000000e+00 : f32
      %broadcast_in_dim3A_283 = vector.broadcast %jit3A_281 : f32 to vector<200x2000xf32>
      %broadcast_in_dim3A_284 = vector.broadcast %jit3A_282 : f32 to vector<200x2000xf32>
      %select_n3A_285 = arith.select %and3A_280, %broadcast_in_dim3A_283, %broadcast_in_dim3A_284 : vector<200x2000xi1>, vector<200x2000xf32>
      %reduce_sum3A_286 = arith.constant dense<0.000000e+00> : vector<200xf32>
      %reduce_sum3A_287 = vector.multi_reduction <add>, %select_n3A_285, %reduce_sum3A_286 [1] : vector<200x2000xf32> to vector<200xf32>
      %broadcast_in_dim3A_288 = vector.shape_cast %reduce_sum3A_287 : vector<200xf32> to vector<200x1xf32>
      %ge3A_289 = arith.cmpf oge, %broadcast_in_dim3A_288, %sub3A_51 : vector<200x1xf32>
      %select_n3A_290 = arith.select %ge3A_289, %scan3A_273, %shift_right_arithmetic3A_277 : vector<200x1xi1>, vector<200x1xi32>
      %select_n3A_291 = arith.select %ge3A_289, %shift_right_arithmetic3A_277, %scan3A_274 : vector<200x1xi1>, vector<200x1xi32>
      scf.yield %select_n3A_290, %select_n3A_291 : vector<200x1xi32>, vector<200x1xi32>
    }
    %le3A = vector.broadcast %scan3A_60#1 : vector<200x1xi32> to vector<200x2000xi32>
    %le3A_61 = arith.cmpi sle, %iota3A, %le3A : vector<200x2000xi32>
    %ge3A = arith.constant 1.000000e+00 : f32
    %ge3A_62 = vector.broadcast %ge3A : f32 to vector<200x1xf32>
    %ge3A_63 = arith.cmpf oge, %sub3A_51, %ge3A_62 : vector<200x1xf32>
    %and3A = vector.broadcast %ge3A_63 : vector<200x1xi1> to vector<200x2000xi1>
    %and3A_64 = arith.andi %le3A_61, %and3A : vector<200x2000xi1>
    %and3A_65 = arith.andi %eq3A_44, %and3A_64 : vector<200x2000xi1>
    %or3A = arith.ori %gt3A_43, %and3A_65 : vector<200x2000xi1>
    %jit3A_66 = arith.constant 1.000000e+00 : f32
    %jit3A_67 = arith.constant 0.000000e+00 : f32
    %broadcast_in_dim3A_68 = vector.broadcast %jit3A_66 : f32 to vector<200x2000xf32>
    %broadcast_in_dim3A_69 = vector.broadcast %jit3A_67 : f32 to vector<200x2000xf32>
    %select_n3A_70 = arith.select %or3A, %broadcast_in_dim3A_68, %broadcast_in_dim3A_69 : vector<200x2000xi1>, vector<200x2000xf32>
    %mul3A_71 = arith.mulf %max3A_32, %select_n3A_70 : vector<200x2000xf32>
    %swap3A = arith.constant 0 : index
    %swap3A_72 = arith.constant 0 : index
    %swap3A_73 = vector.load %arg7[%swap3A, %swap3A_72] : memref<200x2000xf32, #tpu.memory_space<vmem>>, vector<200x2000xf32>
    tpu.vector_store %arg7[%swap3A, %swap3A_72], %mul3A_71 {strides = array<i32>} : memref<200x2000xf32, #tpu.memory_space<vmem>>, vector<200x2000xf32>,
    %dot_general3A_74 = arith.constant dense<0.000000e+00> : vector<200x2000xf32>
    %dot_general3A_75 = tpu.matmul %concatenate3A_16, %get3A_27, %dot_general3A_74 {dimension_numbers = #tpu.dot_dimension_numbers<[1], [1], [0], [0], [0, 0, 1, 0], [], []>, transpose_lhs_hint = false} : vector<200x256xf32>, vector<2000x256xf32>, vector<200x2000xf32> -> vector<200x2000xf32>
    %mul3A_76 = arith.constant 3.000000e+00 : f32
    %mul3A_77 = vector.broadcast %mul3A_76 : f32 to vector<200x2000xf32>
    %mul3A_78 = arith.mulf %mul3A_77, %dot_general3A_75 : vector<200x2000xf32>
    %tanh3A_79 = math.tanh %mul3A_78 : vector<200x2000xf32>
    %max3A_80 = arith.constant 0.000000e+00 : f32
    %max3A_81 = vector.broadcast %max3A_80 : f32 to vector<200x2000xf32>
    %max3A_82 = arith.maximumf %tanh3A_79, %max3A_81 : vector<200x2000xf32>
    %get3A_83 = arith.constant 0 : index
    %get3A_84 = arith.constant 0 : index
    %get3A_85 = vector.load %arg4[%get3A_83, %get3A_84] : memref<200x2000xf32, #tpu.memory_space<vmem>>, vector<200x2000xf32>
    %add3A_86 = arith.addf %max3A_82, %get3A_85 : vector<200x2000xf32>
    %bitcast_convert_type3A_87 = tpu.bitcast %add3A_86 : vector<200x2000xf32> -> vector<200x2000xi32>
    %broadcast_in_dim3A_88 = arith.constant 0 : i32
    %broadcast_in_dim3A_89 = vector.broadcast %broadcast_in_dim3A_88 : i32 to vector<200x1xi32>
    %broadcast_in_dim3A_90 = arith.constant 1065520990 : i32
    %broadcast_in_dim3A_91 = vector.broadcast %broadcast_in_dim3A_90 : i32 to vector<200x1xi32>
    %scan3A_92 = arith.constant 0 : i32
    %scan3A_93 = arith.constant 30 : i32
    %scan3A_94 = arith.addi %scan3A_92, %scan3A_93 : i32
    %scan3A_95 = arith.constant 1 : i32
    %scan3A_96:2 = scf.for %scan3A_272 = %scan3A_92 to %scan3A_94 step %scan3A_95 iter_args(%scan3A_273 = %broadcast_in_dim3A_89, %scan3A_274 = %broadcast_in_dim3A_91) -> (vector<200x1xi32>, vector<200x1xi32>)  : i32 {
      %sub3A_275 = arith.subi %scan3A_274, %scan3A_273 : vector<200x1xi32>
      %add3A_276 = arith.constant 1 : i32
      %add3A_277 = vector.broadcast %add3A_276 : i32 to vector<200x1xi32>
      %add3A_278 = arith.addi %sub3A_275, %add3A_277 : vector<200x1xi32>
      %shift_right_arithmetic3A = arith.constant 1 : i32
      %shift_right_arithmetic3A_279 = vector.broadcast %shift_right_arithmetic3A : i32 to vector<200x1xi32>
      %shift_right_arithmetic3A_280 = arith.shrsi %add3A_278, %shift_right_arithmetic3A_279 : vector<200x1xi32>
      %add3A_281 = arith.addi %scan3A_273, %shift_right_arithmetic3A_280 : vector<200x1xi32>
      %ge3A_282 = vector.broadcast %add3A_281 : vector<200x1xi32> to vector<200x2000xi32>
      %ge3A_283 = arith.cmpi sge, %bitcast_convert_type3A_87, %ge3A_282 : vector<200x2000xi32>
      %jit3A_284 = arith.constant 1.000000e+00 : f32
      %jit3A_285 = arith.constant 0.000000e+00 : f32
      %broadcast_in_dim3A_286 = vector.broadcast %jit3A_284 : f32 to vector<200x2000xf32>
      %broadcast_in_dim3A_287 = vector.broadcast %jit3A_285 : f32 to vector<200x2000xf32>
      %select_n3A_288 = arith.select %ge3A_283, %broadcast_in_dim3A_286, %broadcast_in_dim3A_287 : vector<200x2000xi1>, vector<200x2000xf32>
      %reduce_sum3A_289 = arith.constant dense<0.000000e+00> : vector<200xf32>
      %reduce_sum3A_290 = vector.multi_reduction <add>, %select_n3A_288, %reduce_sum3A_289 [1] : vector<200x2000xf32> to vector<200xf32>
      %broadcast_in_dim3A_291 = vector.shape_cast %reduce_sum3A_290 : vector<200xf32> to vector<200x1xf32>
      %ge3A_292 = arith.constant 3.000000e+01 : f32
      %ge3A_293 = vector.broadcast %ge3A_292 : f32 to vector<200x1xf32>
      %ge3A_294 = arith.cmpf oge, %broadcast_in_dim3A_291, %ge3A_293 : vector<200x1xf32>
      %select_n3A_295 = arith.select %ge3A_294, %add3A_281, %scan3A_273 : vector<200x1xi1>, vector<200x1xi32>
      %sub3A_296 = arith.constant 1 : i32
      %sub3A_297 = vector.broadcast %sub3A_296 : i32 to vector<200x1xi32>
      %sub3A_298 = arith.subi %add3A_281, %sub3A_297 : vector<200x1xi32>
      %select_n3A_299 = arith.select %ge3A_294, %scan3A_274, %sub3A_298 : vector<200x1xi1>, vector<200x1xi32>
      scf.yield %select_n3A_295, %select_n3A_299 : vector<200x1xi32>, vector<200x1xi32>
    }
    %gt3A_97 = vector.broadcast %scan3A_96#0 : vector<200x1xi32> to vector<200x2000xi32>
    %gt3A_98 = arith.cmpi sgt, %bitcast_convert_type3A_87, %gt3A_97 : vector<200x2000xi32>
    %eq3A_99 = vector.broadcast %scan3A_96#0 : vector<200x1xi32> to vector<200x2000xi32>
    %eq3A_100 = arith.cmpi eq, %bitcast_convert_type3A_87, %eq3A_99 : vector<200x2000xi32>
    %jit3A_101 = arith.constant 1.000000e+00 : f32
    %jit3A_102 = arith.constant 0.000000e+00 : f32
    %broadcast_in_dim3A_103 = vector.broadcast %jit3A_101 : f32 to vector<200x2000xf32>
    %broadcast_in_dim3A_104 = vector.broadcast %jit3A_102 : f32 to vector<200x2000xf32>
    %select_n3A_105 = arith.select %gt3A_98, %broadcast_in_dim3A_103, %broadcast_in_dim3A_104 : vector<200x2000xi1>, vector<200x2000xf32>
    %reduce_sum3A_106 = arith.constant dense<0.000000e+00> : vector<200xf32>
    %reduce_sum3A_107 = vector.multi_reduction <add>, %select_n3A_105, %reduce_sum3A_106 [1] : vector<200x2000xf32> to vector<200xf32>
    %broadcast_in_dim3A_108 = vector.shape_cast %reduce_sum3A_107 : vector<200xf32> to vector<200x1xf32>
    %sub3A_109 = arith.constant 3.000000e+01 : f32
    %sub3A_110 = vector.broadcast %sub3A_109 : f32 to vector<200x1xf32>
    %sub3A_111 = arith.subf %sub3A_110, %broadcast_in_dim3A_108 : vector<200x1xf32>
    %iota3A_112 = tpu.iota {dimensions = array<i32: 1>} : vector<200x2000xi32>
    %broadcast_in_dim3A_113 = arith.constant -1 : i32
    %broadcast_in_dim3A_114 = vector.broadcast %broadcast_in_dim3A_113 : i32 to vector<200x1xi32>
    %broadcast_in_dim3A_115 = arith.constant 1999 : i32
    %broadcast_in_dim3A_116 = vector.broadcast %broadcast_in_dim3A_115 : i32 to vector<200x1xi32>
    %scan3A_117 = arith.constant 0 : i32
    %scan3A_118 = arith.constant 11 : i32
    %scan3A_119 = arith.addi %scan3A_117, %scan3A_118 : i32
    %scan3A_120 = arith.constant 1 : i32
    %scan3A_121:2 = scf.for %scan3A_272 = %scan3A_117 to %scan3A_119 step %scan3A_120 iter_args(%scan3A_273 = %broadcast_in_dim3A_114, %scan3A_274 = %broadcast_in_dim3A_116) -> (vector<200x1xi32>, vector<200x1xi32>)  : i32 {
      %add3A_275 = arith.addi %scan3A_273, %scan3A_274 : vector<200x1xi32>
      %shift_right_arithmetic3A = arith.constant 1 : i32
      %shift_right_arithmetic3A_276 = vector.broadcast %shift_right_arithmetic3A : i32 to vector<200x1xi32>
      %shift_right_arithmetic3A_277 = arith.shrsi %add3A_275, %shift_right_arithmetic3A_276 : vector<200x1xi32>
      %le3A_278 = vector.broadcast %shift_right_arithmetic3A_277 : vector<200x1xi32> to vector<200x2000xi32>
      %le3A_279 = arith.cmpi sle, %iota3A_112, %le3A_278 : vector<200x2000xi32>
      %and3A_280 = arith.andi %eq3A_100, %le3A_279 : vector<200x2000xi1>
      %jit3A_281 = arith.constant 1.000000e+00 : f32
      %jit3A_282 = arith.constant 0.000000e+00 : f32
      %broadcast_in_dim3A_283 = vector.broadcast %jit3A_281 : f32 to vector<200x2000xf32>
      %broadcast_in_dim3A_284 = vector.broadcast %jit3A_282 : f32 to vector<200x2000xf32>
      %select_n3A_285 = arith.select %and3A_280, %broadcast_in_dim3A_283, %broadcast_in_dim3A_284 : vector<200x2000xi1>, vector<200x2000xf32>
      %reduce_sum3A_286 = arith.constant dense<0.000000e+00> : vector<200xf32>
      %reduce_sum3A_287 = vector.multi_reduction <add>, %select_n3A_285, %reduce_sum3A_286 [1] : vector<200x2000xf32> to vector<200xf32>
      %broadcast_in_dim3A_288 = vector.shape_cast %reduce_sum3A_287 : vector<200xf32> to vector<200x1xf32>
      %ge3A_289 = arith.cmpf oge, %broadcast_in_dim3A_288, %sub3A_111 : vector<200x1xf32>
      %select_n3A_290 = arith.select %ge3A_289, %scan3A_273, %shift_right_arithmetic3A_277 : vector<200x1xi1>, vector<200x1xi32>
      %select_n3A_291 = arith.select %ge3A_289, %shift_right_arithmetic3A_277, %scan3A_274 : vector<200x1xi1>, vector<200x1xi32>
      scf.yield %select_n3A_290, %select_n3A_291 : vector<200x1xi32>, vector<200x1xi32>
    }
    %le3A_122 = vector.broadcast %scan3A_121#1 : vector<200x1xi32> to vector<200x2000xi32>
    %le3A_123 = arith.cmpi sle, %iota3A_112, %le3A_122 : vector<200x2000xi32>
    %ge3A_124 = arith.constant 1.000000e+00 : f32
    %ge3A_125 = vector.broadcast %ge3A_124 : f32 to vector<200x1xf32>
    %ge3A_126 = arith.cmpf oge, %sub3A_111, %ge3A_125 : vector<200x1xf32>
    %and3A_127 = vector.broadcast %ge3A_126 : vector<200x1xi1> to vector<200x2000xi1>
    %and3A_128 = arith.andi %le3A_123, %and3A_127 : vector<200x2000xi1>
    %and3A_129 = arith.andi %eq3A_100, %and3A_128 : vector<200x2000xi1>
    %or3A_130 = arith.ori %gt3A_98, %and3A_129 : vector<200x2000xi1>
    %jit3A_131 = arith.constant 1.000000e+00 : f32
    %jit3A_132 = arith.constant 0.000000e+00 : f32
    %broadcast_in_dim3A_133 = vector.broadcast %jit3A_131 : f32 to vector<200x2000xf32>
    %broadcast_in_dim3A_134 = vector.broadcast %jit3A_132 : f32 to vector<200x2000xf32>
    %select_n3A_135 = arith.select %or3A_130, %broadcast_in_dim3A_133, %broadcast_in_dim3A_134 : vector<200x2000xi1>, vector<200x2000xf32>
    %mul3A_136 = arith.mulf %max3A_82, %select_n3A_135 : vector<200x2000xf32>
    %swap3A_137 = arith.constant 0 : index
    %swap3A_138 = arith.constant 0 : index
    %swap3A_139 = vector.load %arg8[%swap3A_137, %swap3A_138] : memref<200x2000xf32, #tpu.memory_space<vmem>>, vector<200x2000xf32>
    tpu.vector_store %arg8[%swap3A_137, %swap3A_138], %mul3A_136 {strides = array<i32>} : memref<200x2000xf32, #tpu.memory_space<vmem>>, vector<200x2000xf32>,
    %dot_general3A_140 = arith.constant dense<0.000000e+00> : vector<200x2000xf32>
    %dot_general3A_141 = tpu.matmul %concatenate3A_20, %get3A_27, %dot_general3A_140 {dimension_numbers = #tpu.dot_dimension_numbers<[1], [1], [0], [0], [0, 0, 1, 0], [], []>, transpose_lhs_hint = false} : vector<200x256xf32>, vector<2000x256xf32>, vector<200x2000xf32> -> vector<200x2000xf32>
    %mul3A_142 = arith.constant 3.000000e+00 : f32
    %mul3A_143 = vector.broadcast %mul3A_142 : f32 to vector<200x2000xf32>
    %mul3A_144 = arith.mulf %mul3A_143, %dot_general3A_141 : vector<200x2000xf32>
    %tanh3A_145 = math.tanh %mul3A_144 : vector<200x2000xf32>
    %max3A_146 = arith.constant 0.000000e+00 : f32
    %max3A_147 = vector.broadcast %max3A_146 : f32 to vector<200x2000xf32>
    %max3A_148 = arith.maximumf %tanh3A_145, %max3A_147 : vector<200x2000xf32>
    %get3A_149 = arith.constant 0 : index
    %get3A_150 = arith.constant 0 : index
    %get3A_151 = vector.load %arg5[%get3A_149, %get3A_150] : memref<200x2000xf32, #tpu.memory_space<vmem>>, vector<200x2000xf32>
    %add3A_152 = arith.addf %max3A_148, %get3A_151 : vector<200x2000xf32>
    %bitcast_convert_type3A_153 = tpu.bitcast %add3A_152 : vector<200x2000xf32> -> vector<200x2000xi32>
    %broadcast_in_dim3A_154 = arith.constant 0 : i32
    %broadcast_in_dim3A_155 = vector.broadcast %broadcast_in_dim3A_154 : i32 to vector<200x1xi32>
    %broadcast_in_dim3A_156 = arith.constant 1065520990 : i32
    %broadcast_in_dim3A_157 = vector.broadcast %broadcast_in_dim3A_156 : i32 to vector<200x1xi32>
    %scan3A_158 = arith.constant 0 : i32
    %scan3A_159 = arith.constant 30 : i32
    %scan3A_160 = arith.addi %scan3A_158, %scan3A_159 : i32
    %scan3A_161 = arith.constant 1 : i32
    %scan3A_162:2 = scf.for %scan3A_272 = %scan3A_158 to %scan3A_160 step %scan3A_161 iter_args(%scan3A_273 = %broadcast_in_dim3A_155, %scan3A_274 = %broadcast_in_dim3A_157) -> (vector<200x1xi32>, vector<200x1xi32>)  : i32 {
      %sub3A_275 = arith.subi %scan3A_274, %scan3A_273 : vector<200x1xi32>
      %add3A_276 = arith.constant 1 : i32
      %add3A_277 = vector.broadcast %add3A_276 : i32 to vector<200x1xi32>
      %add3A_278 = arith.addi %sub3A_275, %add3A_277 : vector<200x1xi32>
      %shift_right_arithmetic3A = arith.constant 1 : i32
      %shift_right_arithmetic3A_279 = vector.broadcast %shift_right_arithmetic3A : i32 to vector<200x1xi32>
      %shift_right_arithmetic3A_280 = arith.shrsi %add3A_278, %shift_right_arithmetic3A_279 : vector<200x1xi32>
      %add3A_281 = arith.addi %scan3A_273, %shift_right_arithmetic3A_280 : vector<200x1xi32>
      %ge3A_282 = vector.broadcast %add3A_281 : vector<200x1xi32> to vector<200x2000xi32>
      %ge3A_283 = arith.cmpi sge, %bitcast_convert_type3A_153, %ge3A_282 : vector<200x2000xi32>
      %jit3A_284 = arith.constant 1.000000e+00 : f32
      %jit3A_285 = arith.constant 0.000000e+00 : f32
      %broadcast_in_dim3A_286 = vector.broadcast %jit3A_284 : f32 to vector<200x2000xf32>
      %broadcast_in_dim3A_287 = vector.broadcast %jit3A_285 : f32 to vector<200x2000xf32>
      %select_n3A_288 = arith.select %ge3A_283, %broadcast_in_dim3A_286, %broadcast_in_dim3A_287 : vector<200x2000xi1>, vector<200x2000xf32>
      %reduce_sum3A_289 = arith.constant dense<0.000000e+00> : vector<200xf32>
      %reduce_sum3A_290 = vector.multi_reduction <add>, %select_n3A_288, %reduce_sum3A_289 [1] : vector<200x2000xf32> to vector<200xf32>
      %broadcast_in_dim3A_291 = vector.shape_cast %reduce_sum3A_290 : vector<200xf32> to vector<200x1xf32>
      %ge3A_292 = arith.constant 3.000000e+01 : f32
      %ge3A_293 = vector.broadcast %ge3A_292 : f32 to vector<200x1xf32>
      %ge3A_294 = arith.cmpf oge, %broadcast_in_dim3A_291, %ge3A_293 : vector<200x1xf32>
      %select_n3A_295 = arith.select %ge3A_294, %add3A_281, %scan3A_273 : vector<200x1xi1>, vector<200x1xi32>
      %sub3A_296 = arith.constant 1 : i32
      %sub3A_297 = vector.broadcast %sub3A_296 : i32 to vector<200x1xi32>
      %sub3A_298 = arith.subi %add3A_281, %sub3A_297 : vector<200x1xi32>
      %select_n3A_299 = arith.select %ge3A_294, %scan3A_274, %sub3A_298 : vector<200x1xi1>, vector<200x1xi32>
      scf.yield %select_n3A_295, %select_n3A_299 : vector<200x1xi32>, vector<200x1xi32>
    }
    %gt3A_163 = vector.broadcast %scan3A_162#0 : vector<200x1xi32> to vector<200x2000xi32>
    %gt3A_164 = arith.cmpi sgt, %bitcast_convert_type3A_153, %gt3A_163 : vector<200x2000xi32>
    %eq3A_165 = vector.broadcast %scan3A_162#0 : vector<200x1xi32> to vector<200x2000xi32>
    %eq3A_166 = arith.cmpi eq, %bitcast_convert_type3A_153, %eq3A_165 : vector<200x2000xi32>
    %jit3A_167 = arith.constant 1.000000e+00 : f32
    %jit3A_168 = arith.constant 0.000000e+00 : f32
    %broadcast_in_dim3A_169 = vector.broadcast %jit3A_167 : f32 to vector<200x2000xf32>
    %broadcast_in_dim3A_170 = vector.broadcast %jit3A_168 : f32 to vector<200x2000xf32>
    %select_n3A_171 = arith.select %gt3A_164, %broadcast_in_dim3A_169, %broadcast_in_dim3A_170 : vector<200x2000xi1>, vector<200x2000xf32>
    %reduce_sum3A_172 = arith.constant dense<0.000000e+00> : vector<200xf32>
    %reduce_sum3A_173 = vector.multi_reduction <add>, %select_n3A_171, %reduce_sum3A_172 [1] : vector<200x2000xf32> to vector<200xf32>
    %broadcast_in_dim3A_174 = vector.shape_cast %reduce_sum3A_173 : vector<200xf32> to vector<200x1xf32>
    %sub3A_175 = arith.constant 3.000000e+01 : f32
    %sub3A_176 = vector.broadcast %sub3A_175 : f32 to vector<200x1xf32>
    %sub3A_177 = arith.subf %sub3A_176, %broadcast_in_dim3A_174 : vector<200x1xf32>
    %iota3A_178 = tpu.iota {dimensions = array<i32: 1>} : vector<200x2000xi32>
    %broadcast_in_dim3A_179 = arith.constant -1 : i32
    %broadcast_in_dim3A_180 = vector.broadcast %broadcast_in_dim3A_179 : i32 to vector<200x1xi32>
    %broadcast_in_dim3A_181 = arith.constant 1999 : i32
    %broadcast_in_dim3A_182 = vector.broadcast %broadcast_in_dim3A_181 : i32 to vector<200x1xi32>
    %scan3A_183 = arith.constant 0 : i32
    %scan3A_184 = arith.constant 11 : i32
    %scan3A_185 = arith.addi %scan3A_183, %scan3A_184 : i32
    %scan3A_186 = arith.constant 1 : i32
    %scan3A_187:2 = scf.for %scan3A_272 = %scan3A_183 to %scan3A_185 step %scan3A_186 iter_args(%scan3A_273 = %broadcast_in_dim3A_180, %scan3A_274 = %broadcast_in_dim3A_182) -> (vector<200x1xi32>, vector<200x1xi32>)  : i32 {
      %add3A_275 = arith.addi %scan3A_273, %scan3A_274 : vector<200x1xi32>
      %shift_right_arithmetic3A = arith.constant 1 : i32
      %shift_right_arithmetic3A_276 = vector.broadcast %shift_right_arithmetic3A : i32 to vector<200x1xi32>
      %shift_right_arithmetic3A_277 = arith.shrsi %add3A_275, %shift_right_arithmetic3A_276 : vector<200x1xi32>
      %le3A_278 = vector.broadcast %shift_right_arithmetic3A_277 : vector<200x1xi32> to vector<200x2000xi32>
      %le3A_279 = arith.cmpi sle, %iota3A_178, %le3A_278 : vector<200x2000xi32>
      %and3A_280 = arith.andi %eq3A_166, %le3A_279 : vector<200x2000xi1>
      %jit3A_281 = arith.constant 1.000000e+00 : f32
      %jit3A_282 = arith.constant 0.000000e+00 : f32
      %broadcast_in_dim3A_283 = vector.broadcast %jit3A_281 : f32 to vector<200x2000xf32>
      %broadcast_in_dim3A_284 = vector.broadcast %jit3A_282 : f32 to vector<200x2000xf32>
      %select_n3A_285 = arith.select %and3A_280, %broadcast_in_dim3A_283, %broadcast_in_dim3A_284 : vector<200x2000xi1>, vector<200x2000xf32>
      %reduce_sum3A_286 = arith.constant dense<0.000000e+00> : vector<200xf32>
      %reduce_sum3A_287 = vector.multi_reduction <add>, %select_n3A_285, %reduce_sum3A_286 [1] : vector<200x2000xf32> to vector<200xf32>
      %broadcast_in_dim3A_288 = vector.shape_cast %reduce_sum3A_287 : vector<200xf32> to vector<200x1xf32>
      %ge3A_289 = arith.cmpf oge, %broadcast_in_dim3A_288, %sub3A_177 : vector<200x1xf32>
      %select_n3A_290 = arith.select %ge3A_289, %scan3A_273, %shift_right_arithmetic3A_277 : vector<200x1xi1>, vector<200x1xi32>
      %select_n3A_291 = arith.select %ge3A_289, %shift_right_arithmetic3A_277, %scan3A_274 : vector<200x1xi1>, vector<200x1xi32>
      scf.yield %select_n3A_290, %select_n3A_291 : vector<200x1xi32>, vector<200x1xi32>
    }
    %le3A_188 = vector.broadcast %scan3A_187#1 : vector<200x1xi32> to vector<200x2000xi32>
    %le3A_189 = arith.cmpi sle, %iota3A_178, %le3A_188 : vector<200x2000xi32>
    %ge3A_190 = arith.constant 1.000000e+00 : f32
    %ge3A_191 = vector.broadcast %ge3A_190 : f32 to vector<200x1xf32>
    %ge3A_192 = arith.cmpf oge, %sub3A_177, %ge3A_191 : vector<200x1xf32>
    %and3A_193 = vector.broadcast %ge3A_192 : vector<200x1xi1> to vector<200x2000xi1>
    %and3A_194 = arith.andi %le3A_189, %and3A_193 : vector<200x2000xi1>
    %and3A_195 = arith.andi %eq3A_166, %and3A_194 : vector<200x2000xi1>
    %or3A_196 = arith.ori %gt3A_164, %and3A_195 : vector<200x2000xi1>
    %jit3A_197 = arith.constant 1.000000e+00 : f32
    %jit3A_198 = arith.constant 0.000000e+00 : f32
    %broadcast_in_dim3A_199 = vector.broadcast %jit3A_197 : f32 to vector<200x2000xf32>
    %broadcast_in_dim3A_200 = vector.broadcast %jit3A_198 : f32 to vector<200x2000xf32>
    %select_n3A_201 = arith.select %or3A_196, %broadcast_in_dim3A_199, %broadcast_in_dim3A_200 : vector<200x2000xi1>, vector<200x2000xf32>
    %mul3A_202 = arith.mulf %max3A_148, %select_n3A_201 : vector<200x2000xf32>
    %swap3A_203 = arith.constant 0 : index
    %swap3A_204 = arith.constant 0 : index
    %swap3A_205 = vector.load %arg9[%swap3A_203, %swap3A_204] : memref<200x2000xf32, #tpu.memory_space<vmem>>, vector<200x2000xf32>
    tpu.vector_store %arg9[%swap3A_203, %swap3A_204], %mul3A_202 {strides = array<i32>} : memref<200x2000xf32, #tpu.memory_space<vmem>>, vector<200x2000xf32>,
    %dot_general3A_206 = arith.constant dense<0.000000e+00> : vector<200x2000xf32>
    %dot_general3A_207 = tpu.matmul %concatenate3A_24, %get3A_27, %dot_general3A_206 {dimension_numbers = #tpu.dot_dimension_numbers<[1], [1], [0], [0], [0, 0, 1, 0], [], []>, transpose_lhs_hint = false} : vector<200x256xf32>, vector<2000x256xf32>, vector<200x2000xf32> -> vector<200x2000xf32>
    %mul3A_208 = arith.constant 3.000000e+00 : f32
    %mul3A_209 = vector.broadcast %mul3A_208 : f32 to vector<200x2000xf32>
    %mul3A_210 = arith.mulf %mul3A_209, %dot_general3A_207 : vector<200x2000xf32>
    %tanh3A_211 = math.tanh %mul3A_210 : vector<200x2000xf32>
    %max3A_212 = arith.constant 0.000000e+00 : f32
    %max3A_213 = vector.broadcast %max3A_212 : f32 to vector<200x2000xf32>
    %max3A_214 = arith.maximumf %tanh3A_211, %max3A_213 : vector<200x2000xf32>
    %get3A_215 = arith.constant 0 : index
    %get3A_216 = arith.constant 0 : index
    %get3A_217 = vector.load %arg6[%get3A_215, %get3A_216] : memref<200x2000xf32, #tpu.memory_space<vmem>>, vector<200x2000xf32>
    %add3A_218 = arith.addf %max3A_214, %get3A_217 : vector<200x2000xf32>
    %bitcast_convert_type3A_219 = tpu.bitcast %add3A_218 : vector<200x2000xf32> -> vector<200x2000xi32>
    %broadcast_in_dim3A_220 = arith.constant 0 : i32
    %broadcast_in_dim3A_221 = vector.broadcast %broadcast_in_dim3A_220 : i32 to vector<200x1xi32>
    %broadcast_in_dim3A_222 = arith.constant 1065520990 : i32
    %broadcast_in_dim3A_223 = vector.broadcast %broadcast_in_dim3A_222 : i32 to vector<200x1xi32>
    %scan3A_224 = arith.constant 0 : i32
    %scan3A_225 = arith.constant 30 : i32
    %scan3A_226 = arith.addi %scan3A_224, %scan3A_225 : i32
    %scan3A_227 = arith.constant 1 : i32
    %scan3A_228:2 = scf.for %scan3A_272 = %scan3A_224 to %scan3A_226 step %scan3A_227 iter_args(%scan3A_273 = %broadcast_in_dim3A_221, %scan3A_274 = %broadcast_in_dim3A_223) -> (vector<200x1xi32>, vector<200x1xi32>)  : i32 {
      %sub3A_275 = arith.subi %scan3A_274, %scan3A_273 : vector<200x1xi32>
      %add3A_276 = arith.constant 1 : i32
      %add3A_277 = vector.broadcast %add3A_276 : i32 to vector<200x1xi32>
      %add3A_278 = arith.addi %sub3A_275, %add3A_277 : vector<200x1xi32>
      %shift_right_arithmetic3A = arith.constant 1 : i32
      %shift_right_arithmetic3A_279 = vector.broadcast %shift_right_arithmetic3A : i32 to vector<200x1xi32>
      %shift_right_arithmetic3A_280 = arith.shrsi %add3A_278, %shift_right_arithmetic3A_279 : vector<200x1xi32>
      %add3A_281 = arith.addi %scan3A_273, %shift_right_arithmetic3A_280 : vector<200x1xi32>
      %ge3A_282 = vector.broadcast %add3A_281 : vector<200x1xi32> to vector<200x2000xi32>
      %ge3A_283 = arith.cmpi sge, %bitcast_convert_type3A_219, %ge3A_282 : vector<200x2000xi32>
      %jit3A_284 = arith.constant 1.000000e+00 : f32
      %jit3A_285 = arith.constant 0.000000e+00 : f32
      %broadcast_in_dim3A_286 = vector.broadcast %jit3A_284 : f32 to vector<200x2000xf32>
      %broadcast_in_dim3A_287 = vector.broadcast %jit3A_285 : f32 to vector<200x2000xf32>
      %select_n3A_288 = arith.select %ge3A_283, %broadcast_in_dim3A_286, %broadcast_in_dim3A_287 : vector<200x2000xi1>, vector<200x2000xf32>
      %reduce_sum3A_289 = arith.constant dense<0.000000e+00> : vector<200xf32>
      %reduce_sum3A_290 = vector.multi_reduction <add>, %select_n3A_288, %reduce_sum3A_289 [1] : vector<200x2000xf32> to vector<200xf32>
      %broadcast_in_dim3A_291 = vector.shape_cast %reduce_sum3A_290 : vector<200xf32> to vector<200x1xf32>
      %ge3A_292 = arith.constant 3.000000e+01 : f32
      %ge3A_293 = vector.broadcast %ge3A_292 : f32 to vector<200x1xf32>
      %ge3A_294 = arith.cmpf oge, %broadcast_in_dim3A_291, %ge3A_293 : vector<200x1xf32>
      %select_n3A_295 = arith.select %ge3A_294, %add3A_281, %scan3A_273 : vector<200x1xi1>, vector<200x1xi32>
      %sub3A_296 = arith.constant 1 : i32
      %sub3A_297 = vector.broadcast %sub3A_296 : i32 to vector<200x1xi32>
      %sub3A_298 = arith.subi %add3A_281, %sub3A_297 : vector<200x1xi32>
      %select_n3A_299 = arith.select %ge3A_294, %scan3A_274, %sub3A_298 : vector<200x1xi1>, vector<200x1xi32>
      scf.yield %select_n3A_295, %select_n3A_299 : vector<200x1xi32>, vector<200x1xi32>
    }
    %gt3A_229 = vector.broadcast %scan3A_228#0 : vector<200x1xi32> to vector<200x2000xi32>
    %gt3A_230 = arith.cmpi sgt, %bitcast_convert_type3A_219, %gt3A_229 : vector<200x2000xi32>
    %eq3A_231 = vector.broadcast %scan3A_228#0 : vector<200x1xi32> to vector<200x2000xi32>
    %eq3A_232 = arith.cmpi eq, %bitcast_convert_type3A_219, %eq3A_231 : vector<200x2000xi32>
    %jit3A_233 = arith.constant 1.000000e+00 : f32
    %jit3A_234 = arith.constant 0.000000e+00 : f32
    %broadcast_in_dim3A_235 = vector.broadcast %jit3A_233 : f32 to vector<200x2000xf32>
    %broadcast_in_dim3A_236 = vector.broadcast %jit3A_234 : f32 to vector<200x2000xf32>
    %select_n3A_237 = arith.select %gt3A_230, %broadcast_in_dim3A_235, %broadcast_in_dim3A_236 : vector<200x2000xi1>, vector<200x2000xf32>
    %reduce_sum3A_238 = arith.constant dense<0.000000e+00> : vector<200xf32>
    %reduce_sum3A_239 = vector.multi_reduction <add>, %select_n3A_237, %reduce_sum3A_238 [1] : vector<200x2000xf32> to vector<200xf32>
    %broadcast_in_dim3A_240 = vector.shape_cast %reduce_sum3A_239 : vector<200xf32> to vector<200x1xf32>
    %sub3A_241 = arith.constant 3.000000e+01 : f32
    %sub3A_242 = vector.broadcast %sub3A_241 : f32 to vector<200x1xf32>
    %sub3A_243 = arith.subf %sub3A_242, %broadcast_in_dim3A_240 : vector<200x1xf32>
    %iota3A_244 = tpu.iota {dimensions = array<i32: 1>} : vector<200x2000xi32>
    %broadcast_in_dim3A_245 = arith.constant -1 : i32
    %broadcast_in_dim3A_246 = vector.broadcast %broadcast_in_dim3A_245 : i32 to vector<200x1xi32>
    %broadcast_in_dim3A_247 = arith.constant 1999 : i32
    %broadcast_in_dim3A_248 = vector.broadcast %broadcast_in_dim3A_247 : i32 to vector<200x1xi32>
    %scan3A_249 = arith.constant 0 : i32
    %scan3A_250 = arith.constant 11 : i32
    %scan3A_251 = arith.addi %scan3A_249, %scan3A_250 : i32
    %scan3A_252 = arith.constant 1 : i32
    %scan3A_253:2 = scf.for %scan3A_272 = %scan3A_249 to %scan3A_251 step %scan3A_252 iter_args(%scan3A_273 = %broadcast_in_dim3A_246, %scan3A_274 = %broadcast_in_dim3A_248) -> (vector<200x1xi32>, vector<200x1xi32>)  : i32 {
      %add3A_275 = arith.addi %scan3A_273, %scan3A_274 : vector<200x1xi32>
      %shift_right_arithmetic3A = arith.constant 1 : i32
      %shift_right_arithmetic3A_276 = vector.broadcast %shift_right_arithmetic3A : i32 to vector<200x1xi32>
      %shift_right_arithmetic3A_277 = arith.shrsi %add3A_275, %shift_right_arithmetic3A_276 : vector<200x1xi32>
      %le3A_278 = vector.broadcast %shift_right_arithmetic3A_277 : vector<200x1xi32> to vector<200x2000xi32>
      %le3A_279 = arith.cmpi sle, %iota3A_244, %le3A_278 : vector<200x2000xi32>
      %and3A_280 = arith.andi %eq3A_232, %le3A_279 : vector<200x2000xi1>
      %jit3A_281 = arith.constant 1.000000e+00 : f32
      %jit3A_282 = arith.constant 0.000000e+00 : f32
      %broadcast_in_dim3A_283 = vector.broadcast %jit3A_281 : f32 to vector<200x2000xf32>
      %broadcast_in_dim3A_284 = vector.broadcast %jit3A_282 : f32 to vector<200x2000xf32>
      %select_n3A_285 = arith.select %and3A_280, %broadcast_in_dim3A_283, %broadcast_in_dim3A_284 : vector<200x2000xi1>, vector<200x2000xf32>
      %reduce_sum3A_286 = arith.constant dense<0.000000e+00> : vector<200xf32>
      %reduce_sum3A_287 = vector.multi_reduction <add>, %select_n3A_285, %reduce_sum3A_286 [1] : vector<200x2000xf32> to vector<200xf32>
      %broadcast_in_dim3A_288 = vector.shape_cast %reduce_sum3A_287 : vector<200xf32> to vector<200x1xf32>
      %ge3A_289 = arith.cmpf oge, %broadcast_in_dim3A_288, %sub3A_243 : vector<200x1xf32>
      %select_n3A_290 = arith.select %ge3A_289, %scan3A_273, %shift_right_arithmetic3A_277 : vector<200x1xi1>, vector<200x1xi32>
      %select_n3A_291 = arith.select %ge3A_289, %shift_right_arithmetic3A_277, %scan3A_274 : vector<200x1xi1>, vector<200x1xi32>
      scf.yield %select_n3A_290, %select_n3A_291 : vector<200x1xi32>, vector<200x1xi32>
    }
    %le3A_254 = vector.broadcast %scan3A_253#1 : vector<200x1xi32> to vector<200x2000xi32>
    %le3A_255 = arith.cmpi sle, %iota3A_244, %le3A_254 : vector<200x2000xi32>
    %ge3A_256 = arith.constant 1.000000e+00 : f32
    %ge3A_257 = vector.broadcast %ge3A_256 : f32 to vector<200x1xf32>
    %ge3A_258 = arith.cmpf oge, %sub3A_243, %ge3A_257 : vector<200x1xf32>
    %and3A_259 = vector.broadcast %ge3A_258 : vector<200x1xi1> to vector<200x2000xi1>
    %and3A_260 = arith.andi %le3A_255, %and3A_259 : vector<200x2000xi1>
    %and3A_261 = arith.andi %eq3A_232, %and3A_260 : vector<200x2000xi1>
    %or3A_262 = arith.ori %gt3A_230, %and3A_261 : vector<200x2000xi1>
    %jit3A_263 = arith.constant 1.000000e+00 : f32
    %jit3A_264 = arith.constant 0.000000e+00 : f32
    %broadcast_in_dim3A_265 = vector.broadcast %jit3A_263 : f32 to vector<200x2000xf32>
    %broadcast_in_dim3A_266 = vector.broadcast %jit3A_264 : f32 to vector<200x2000xf32>
    %select_n3A_267 = arith.select %or3A_262, %broadcast_in_dim3A_265, %broadcast_in_dim3A_266 : vector<200x2000xi1>, vector<200x2000xf32>
    %mul3A_268 = arith.mulf %max3A_214, %select_n3A_267 : vector<200x2000xf32>
    %swap3A_269 = arith.constant 0 : index
    %swap3A_270 = arith.constant 0 : index
    %swap3A_271 = vector.load %arg10[%swap3A_269, %swap3A_270] : memref<200x2000xf32, #tpu.memory_space<vmem>>, vector<200x2000xf32>
    tpu.vector_store %arg10[%swap3A_269, %swap3A_270], %mul3A_268 {strides = array<i32>} : memref<200x2000xf32, #tpu.memory_space<vmem>>, vector<200x2000xf32>,
    return
  }
  func.func @transform_0(%arg0: i32) -> (i32, i32) {
    %c0_i32 = arith.constant 0 : i32
    %c0_i32_0 = arith.constant 0 : i32
    return %arg0, %c0_i32 : i32, i32
  }
  func.func @transform_1(%arg0: i32) -> (i32, i32) {
    %c0_i32 = arith.constant 0 : i32
    %c0_i32_0 = arith.constant 0 : i32
    %c0_i32_1 = arith.constant 0 : i32
    return %c0_i32, %c0_i32_0 : i32, i32
  }
  func.func @transform_2(%arg0: i32) -> (i32, i32) {
    %c0_i32 = arith.constant 0 : i32
    %c0_i32_0 = arith.constant 0 : i32
    return %arg0, %c0_i32 : i32, i32
  }
  func.func @transform_3(%arg0: i32) -> (i32, i32) {
    %c0_i32 = arith.constant 0 : i32
    %c0_i32_0 = arith.constant 0 : i32
    return %arg0, %c0_i32 : i32, i32
  }
  func.func @transform_4(%arg0: i32) -> (i32, i32) {
    %c0_i32 = arith.constant 0 : i32
    %c0_i32_0 = arith.constant 0 : i32
    return %arg0, %c0_i32 : i32, i32
  }
  func.func @transform_5(%arg0: i32) -> (i32, i32) {
    %c0_i32 = arith.constant 0 : i32
    %c0_i32_0 = arith.constant 0 : i32
    return %arg0, %c0_i32 : i32, i32
  }
  func.func @transform_6(%arg0: i32) -> (i32, i32) {
    %c0_i32 = arith.constant 0 : i32
    %c0_i32_0 = arith.constant 0 : i32
    return %arg0, %c0_i32 : i32, i32
  }
  func.func @transform_7(%arg0: i32) -> (i32, i32) {
    %c0_i32 = arith.constant 0 : i32
    %c0_i32_0 = arith.constant 0 : i32
    return %arg0, %c0_i32 : i32, i32
  }
  func.func @transform_8(%arg0: i32) -> (i32, i32) {
    %c0_i32 = arith.constant 0 : i32
    %c0_i32_0 = arith.constant 0 : i32
    return %arg0, %c0_i32 : i32, i32
  }
  func.func @transform_9(%arg0: i32) -> (i32, i32) {
    %c0_i32 = arith.constant 0 : i32
    %c0_i32_0 = arith.constant 0 : i32
    return %arg0, %c0_i32 : i32, i32
  }
}

</mosaic_0001>

<sc_bundles>
// kernel: gather_offload_async_start
scs
__scs_entry_jumppad:
0x0: {  	(pc) =	sbr.rel $0x88, $3  }
0x1: {  	(tag) =	ssettag $0x0;
	lr =	simm.s32 $0x1  }
0x2: {  	[smem:$0x3F9D] =	sst lr;
	_ =	strace $0xD0000000  }
0x3: {  	_ = 	snop  }
0x4: {  	_ = 	snop  }
0x5: {  	_ = 	snop  }
0x6: {  	_ = 	snop  }
0x7: {  	_ = 	snop  }
__scs_overlays_trampoline_lowered:
0x8: {  	[smem:$0x3FAC] =	sst s0  }
0x9: {  	[smem:$0x3FAD] =	sst s1  }
0xa: {  	[smem:$0x3FAE] =	sst s2  }
0xb: {  	[smem:$0x3FAF] =	sst s3  }
0xc: {  	[smem:$0x3FB0] =	sst s4  }
0xd: {  	[smem:$0x3FB1] =	sst s5  }
0xe: {  	[smem:$0x3FB2] =	sst s6  }
0xf: {  	[smem:$0x3FB3] =	sst s7  }
0x10: {  	[smem:$0x3FB4] =	sst s8  }
0x11: {  	[smem:$0x3FB5] =	sst s9;
	s0 =	simm.s32 @!p0 $0x0  }
0x12: {  	s1 =	sld [smem:$0x3F9B];
	s0 =	simm.s32 @p0 $0x1  }
0x13: {  	[smem:$0x3FB6] =	sst s0;
	s0 =	simm.s32 @!p1 $0x0  }
0x14: {  	s2 =	sld [smem:$0x3F9A];
	s0 =	simm.s32 @p1 $0x1  }
0x15: {  	[smem:$0x3FB7] =	sst s0;
	s0 =	simm.s32 @!p2 $0x0  }
0x16: {  	s3 =	sld [smem:$0x3FDB];
	s0 =	simm.s32 @p2 $0x1  }
0x17: {  	s4 =	simm.s32 $0x1BF5;
	[smem:$0x3FB9] =	sst s0  }
0x18: {  	s0 =	sld [smem:$0x3F9C];
	_ =	swait.ge [sflag:s4], $0x0  }
0x19: {  	s7 =	sld [smem:$0x3F9D]  }
0x1a: {  	s8 =	sadd.s32 $0xFFFFE003, lr  }
0x1b: {  	s9 =	sadd.s32 $0xFFFFFEF7, lr;
	s5 =	simm.s32 $0xFFFFFFFF;
	p2 =	slt.u32 s8, $0xFFFFF086  }
0x1c: {  	p1 =	slt.u32 s9, $0xF7A;
	s5 =	simm.s32 @!p2 $0x0  }
0x1d: {  	s5 =	simm.s32 @p1 $0x1;
	p0 =	seq.s32 s7, s2  }
0x1e: {  	s7 =	smul.u32 @!p0 $0xF7A, s2;
	p2 =	seq.s32 @!p0 s5, $0x0  }
0x1f: {  	s9 =	smul.u32 $0xF7A, s1;
	s8 =	simm.s32 @!p0 $0x1BF5;
	p2 =	por !p2, p0  }
0x20: {  	[sflag:s8] =	ssyncset.s32 @!p0 $0xFFFFF086;
	s6 =	sadd.s32 @!p0 s3, s7;
	s7 =	simm.s32 @!p0 $0x108  }
0x21: {  	s3 =	sadd.s32 s3, s9;
	s6 =	sadd.s32 @!p0 $0x88, s6;
	s7 =	simm.s32 @p2 $0x1082  }
0x22: {  	[simem:s7], [sflag:s8] =	dma.local @!p0 [hbm:s6], $0xF7A  }
0x23: {  	s9 =	sor.u32 $0xD0000000, s2;
	s6 =	simm.s32 $0x108;
	_ =	swait.ge @!p0 [sflag:s8], $0x0  }
0x24: {  	s3 =	sadd.s32 $0x88, s3;
	s6 =	simm.s32 @!p1 $0x1082;
	[sflag:s4] =	ssyncset.s32 $0xFFFFF086  }
0x25: {  	[simem:s6], [sflag:s4] =	dma.local [hbm:s3], $0xF7A  }
0x26: {  	[smem:$0x3F9D] =	sst s1;
	(tag) =	ssettag s2;
	_ =	strace s9  }
0x27: {  	s1 =	sld [smem:$0x3FAD]  }
0x28: {  	s2 =	sld [smem:$0x3FAE]  }
0x29: {  	s4 =	sld [smem:$0x3FB0]  }
0x2a: {  	p0 =	seq.s32 s5, $0x0;
	s5 =	sld [smem:$0x3FB1]  }
0x2b: {  	s6 =	sld [smem:$0x3FB2]  }
0x2c: {  	s7 =	sld [smem:$0x3FB3]  }
0x2d: {  	s3 =	simm.s32 $0x108;
	s8 =	sld [smem:$0x3FB4]  }
0x2e: {  	s3 =	simm.s32 @!p0 $0x1082;
	s9 =	sld [smem:$0x3FB5]  }
0x2f: {  	lr =	sadd.s32 s0, s3;
	s0 =	sld [smem:$0x3FAC]  }
0x30: {  	s3 =	sld [smem:$0x3FAF]  }
0x31: {  	[smem:$0x3FB8] =	sst s10  }
0x32: {  	s10 =	sld [smem:$0x3FB6];
	_ =	sdelay $0x3  }
0x33: {  	p0 =	seq.s32 s10, $0x1;
	s10 =	sld [smem:$0x3FB8];
	_ =	sdelay $0x3  }
0x34: {  	[smem:$0x3FB8] =	sst s10  }
0x35: {  	s10 =	sld [smem:$0x3FB7];
	_ =	sdelay $0x3  }
0x36: {  	p1 =	seq.s32 s10, $0x1;
	s10 =	sld [smem:$0x3FB8];
	_ =	sdelay $0x3  }
0x37: {  	[smem:$0x3FB8] =	sst s10  }
0x38: {  	s10 =	sld [smem:$0x3FB9]  }
0x39: {  	_ = 	snop;
	(pc) =	sbr.ind lr, $3  }
0x3a: {  	_ = 	snop  }
0x3b: {  	_ = 	snop  }
0x3c: {  	p2 =	seq.s32 s10, $0x1;
	s10 =	sld [smem:$0x3FB8]  }
0x3d: {  	_ =	shalt  }
0x3e: {  	_ =	shalt  }
0x3f: {  	_ =	shalt  }
0x40: {  	_ =	shalt  }
0x41: {  	_ =	shalt  }
0x42: {  	_ =	shalt  }
0x43: {  	_ =	shalt  }
0x44: {  	_ =	shalt  }
0x45: {  	_ =	shalt  }
0x46: {  	_ =	shalt  }
0x47: {  	_ =	shalt  }
0x48: {  	_ =	shalt  }
0x49: {  	_ =	shalt  }
0x4a: {  	_ =	shalt  }
0x4b: {  	_ =	shalt  }
0x4c: {  	_ =	shalt  }
0x4d: {  	_ =	shalt  }
0x4e: {  	_ =	shalt  }
0x4f: {  	_ =	shalt  }
0x50: {  	_ =	shalt  }
0x51: {  	_ =	shalt  }
0x52: {  	_ =	shalt  }
0x53: {  	_ =	shalt  }
0x54: {  	_ =	shalt  }
0x55: {  	_ =	shalt  }
0x56: {  	_ =	shalt  }
0x57: {  	_ =	shalt  }
0x58: {  	_ =	shalt  }
0x59: {  	_ =	shalt  }
0x5a: {  	_ =	shalt  }
0x5b: {  	_ =	shalt  }
0x5c: {  	_ =	shalt  }
0x5d: {  	_ =	shalt  }
0x5e: {  	_ =	shalt  }
0x5f: {  	_ =	shalt  }
0x60: {  	_ =	shalt  }
0x61: {  	_ =	shalt  }
0x62: {  	_ =	shalt  }
0x63: {  	_ =	shalt  }
0x64: {  	_ =	shalt  }
0x65: {  	_ =	shalt  }
0x66: {  	_ =	shalt  }
0x67: {  	_ =	shalt  }
0x68: {  	_ =	shalt  }
0x69: {  	_ =	shalt  }
0x6a: {  	_ =	shalt  }
0x6b: {  	_ =	shalt  }
0x6c: {  	_ =	shalt  }
0x6d: {  	_ =	shalt  }
0x6e: {  	_ =	shalt  }
0x6f: {  	_ =	shalt  }
0x70: {  	_ =	shalt  }
0x71: {  	_ =	shalt  }
0x72: {  	_ =	shalt  }
0x73: {  	_ =	shalt  }
0x74: {  	_ =	shalt  }
0x75: {  	_ =	shalt  }
0x76: {  	_ =	shalt  }
0x77: {  	_ =	shalt  }
0x78: {  	_ =	shalt  }
0x79: {  	_ =	shalt  }
0x7a: {  	_ =	shalt  }
0x7b: {  	_ =	shalt  }
0x7c: {  	_ =	shalt  }
0x7d: {  	_ =	shalt  }
0x7e: {  	_ =	shalt  }
0x7f: {  	_ =	shalt  }
0x80: {  	_ =	shalt  }
0x81: {  	_ =	shalt  }
0x82: {  	_ =	shalt  }
0x83: {  	_ =	shalt  }
0x84: {  	_ =	shalt  }
0x85: {  	_ =	shalt  }
0x86: {  	_ =	shalt  }
0x87: {  	_ =	shalt  }
.Lfunc_end0:
.L_simem_size_0:
called_computation_lowered:
.L_overlay_start_0:
0x88: {  	s0 =	sld [smem:$0x3FD9]  }
0x89: {  	s1 =	sld [smem:$0x3FFE];
	_ =	sdelay $0x3  }
0x8a: {  	s0 =	sadd.s32 s1, s0  }
0x8b: {  	[smem:$0x3FC4] =	sst s0  }
0x8c: {  	_ = 	snop  }
0x8d: {  	s0 =	sld [smem:$0x3FD0];
	_ =	sdelay $0x2  }
0x8e: {  	s14 =	simm.s32 $0xA;
	s2 =	simm.s32 $0x10  }
0x8f: {  	[smem:s2], [sflag:s14] =	dma.local [hbm:s0], $0x1  }
0x90: {  	_ =	swait.eq [sflag:s14], $0x1  }
0x91: {  	s15 =	sld [smem:$0x11];
	[sflag:s14] =	ssyncset.done $0x0  }
0x92: {  	s16 =	sld [smem:$0x12];
	[sflag:s14] =	ssyncadd.s32 $0xFFFFFFFF  }
0x93: {  	s17 =	sld [smem:$0x13];
	(tm) =	ssettm $0x1  }
0x94: {  	s3 =	sld [smem:$0x3FFB];
	_ =	sdelay $0x3  }
0x95: {  	_ =	strace s3  }
0x96: {  	s3 =	sld [smem:$0x3FFC];
	_ =	sdelay $0x3  }
0x97: {  	_ =	strace s3  }
0x98: {  	s3 =	sld [smem:$0x3FFD];
	_ =	sdelay $0x3  }
0x99: {  	_ =	strace s3  }
0x9a: {  	_ =	strace $0x8FFFFFFF  }
0x9b: {  	s18 =	sld [smem:$0x3FDB];
	_ =	sdelay $0x1  }
0x9c: {  	s4 =	simm.s32 $_scs_section_size  }
0x9d: {  	s5 =	simm.s32 $_size__tile_overlayer_lowered;
	s6 =	simm.s32 $_tile_overlayer_lowered  }
0x9e: {  	s21 =	simm.s32 $0x1BFF;
	s20 =	sshll.u32 s6, $0x1;
	s3 =	sadd.s32 s4, s18  }
0x9f: {  	s7 =	simm.s32 $0x0;
	s19 =	sshll.u32 s5, $0x1;
	s5 =	sadd.s32 s20, s3  }
0xa0: {  	[timem:s7], [sflag:s21] =	dma.local [hbm:s5], s19  }
0xa1: {  	_ =	swait.ge [sflag:s21], s19  }
0xa2: {  	s4 =	ssub.s32 $0x0, s19;
	[sflag:s21] =	ssyncset.done $0x0  }
0xa3: {  	[sflag:s21] =	ssyncadd.s32 s4;
	_ =	sdelay $0x1  }
0xa4: {  	s22 =	simm.s32 $0x1B8B  }
0xa5: {  	_ =	swait.ge [sflag:s22], $0x1  }
0xa6: {  	[sflag:s22] =	ssyncset.done $0x0  }
0xa7: {  	s23 =	simm.s32 $0x1B8E;
	[sflag:s22] =	ssyncadd.s32 $0xFFFFFFFF  }
0xa8: {  	s24 =	simm.s32 $execute0_lowered;
	[smem:$0x3FD2] =	sst s23  }
0xa9: {  	s4 =	sshll.u32 s24, $0x1;
	_ =	strace $0x80000046;
	[dreg:$0x1] =	wrdreg $0xFFFFFFFF  }
0xaa: {  	s25 =	simm.s32 $_size_execute0_lowered;
	s3 =	sadd.s32 s3, s4;
	[dreg:$0x0] =	wrdreg $0x0  }
0xab: {  	s4 =	sshll.u32 s25, $0x1;
	[dreg:$0x2] =	wrdreg s3  }
0xac: {  	[dreg:$0x3] =	wrdreg s4  }
0xad: {  	[dreg:$0x4] =	wrdreg $0xC0  }
0xae: {  	_ =	task [dreg:s7], $0x5FFFF  }
0xaf: {  	[dreg:$0x1] =	wrdreg $0xFFFFFFFF  }
0xb0: {  	[dreg:$0x0] =	wrdreg $0x60  }
0xb1: {  	[dreg:$0x2] =	wrdreg s17  }
0xb2: {  	[dreg:$0x3] =	wrdreg s15  }
0xb3: {  	[dreg:$0x4] =	wrdreg s16  }
0xb4: {  	[dreg:$0x5] =	wrdreg $0x9  }
0xb5: {  	_ =	task.clear_ibuf [dreg:s7], $0x6FFFF;
	_ =	strace $0x90000046  }
0xb6: {  	s26 =	simm.s32 $0x9;
	_ =	strace $0x80000048  }
0xb7: {  	_ =	swait.ge [sflag:s26], $0x1  }
0xb8: {  	[sflag:s26] =	ssyncadd.s32 $0xFFFFFFFF  }
0xb9: {  	_ =	strace $0x90000048  }
0xba: {  	_ =	sfence  }
0xbb: {  	s28 =	sld [smem:$0x0];
	_ =	sdelay $0x1  }
0xbc: {  	s29 =	srdreg.scid  }
0xbd: {  	s30 =	sshll.u32 s29, $0xD;
	s31 =	sshrl.u32 s29, $0x2  }
0xbe: {  	s1 =	sand.u32 $0x1, s29;
	s2 =	sand.u32 $0x4000, s30;
	s0 =	sadd.s32 s31, s28  }
0xbf: {  	s1 =	sor.u32 s2, s1;
	s0 =	sshll.u32 s0, $0x11  }
0xc0: {  	s0 =	sor.u32 s0, s1  }
0xc1: {  	s0 =	sadd.s32 $0x8F2B, s0  }
0xc2: {  	[sflag:s0] =	ssyncadd.remote.s32 $0x1  }
0xc3: {  	_ =	sfence.sel $0xFFFF  }
0xc4: {  	[dreg:$0x0] =	wrdreg $0xFFFFFFFF;
	(pc) =	sbr.abs _section_cstart, $3  }
0xc5: {  	[dreg:$0x1] =	wrdreg $0xFFFFFFFF  }
0xc6: {  	_ =	task.clear_ibuf [dreg:s7], $0x2FFFF;
	_ =	strace $0x9FFFFFFF  }
0xc7: {  	(tm) =	ssettm $0x7FFFFFFF  }
tec
execute0_lowered:
.L_overlay_start_1:
0x0: {  	(tag) =	ssettag $0x1  }
0x1: {  	s0 =	stileid.u32  }
0x2: {  	s1 =	smin.u32 s0, $0x9  }
0x3: {  	s1 =	sadd.s32 s0, s1  }
0x4: {  	s2 =	simm.s32 $0xA0;
	p0 =	slt.u32 s0, $0x9;
	s1 =	smul.u32 $0x50, s1  }
0x5: {  	s2 =	simm.s32 @!p0 $0x50  }
0x6: {  	s2 =	sadd.s32 s2, s1  }
0x7: {  	s3 =	smin.u32 s2, $0x7D0  }
0x8: {  	s8 =	ssub.s32 s3, s1  }
0x9: {  	p0 =	sgt.s32 s8, $0x0  }
0xa: {  	s8 =	simm.s32 @!p0 $0x0  }
0xb: {  	s4 =	rddreg [dreg:$0x0];
	s31 =	smul.u32 $0xCCCD, s8  }
0xc: {  	s5 =	rddreg [dreg:$0x1]  }
0xd: {  	s6 =	rddreg [dreg:$0x2];
	s7 =	simm.s32 $0x1;
	s9 =	sshrl.u32 s31, $0x16  }
0xe: {  	s11 =	simm.s32 $0x3;
	s13 =	simm.s32 $0x0;
	s10 =	smul.u32 $0x50, s9  }
.Ltmp0:
0xf: {  	s12 =	simm.s32 $0x0;
	s2 =	rddreg [dreg:$0x3];
	(pc) =	sbr.rel .LBB2_1-.Ltmp0, $4  }
0x10: {  	_ =	strace $0x80000047;
	p0 =	sne.s32 s8, s10;
	s10 =	simm.s32 $0x1  }
0x11: {  	[sflag:s7] =	ssyncpa.u1 $0x0;
	s8 =	simm.s32 $0x2;
	s10 =	simm.s32 @!p0 $0x0  }
0x12: {  	[sflag:s8] =	ssyncpa.u1 $0x0;
	p0 =	por $0x0, $0x0;
	s9 =	sadd.s32 s9, s10  }
0x13: {  	vm0 =	vmmov $0xff;
	vm1 =	vcmask $0x3F20;
	[sflag:s11] =	ssyncpa.u1 $0x0;
	s11 =	smov.u32 s1;
	s10 =	sadd.s32 $0x1, s9  }
.LBB2_6:
0x14: {  	[hbm:s17] =	stream.linear.scatter [tilespmem:s14], [sflag:$0x3], $0x400, $0x38;
	[tilespmem:$0x50A0] =	vst v63  }
.LBB2_7:
0x15: {  	s13 =	sadd.s32 $0x50, s11  }
0x16: {  	s15 =	smov.u32 s1;
	p2 =	slt.s32 s13, s3  }
0x17: {  	s15 =	smov.u32 @p2 s13;
	p2 =	sne.s32 s12, s10  }
.Ltmp1:
0x18: {  	p1 =	slt.u32 s12, $0x2;
	(pc) =	sbr.rel @!p2 .LBB2_8-.Ltmp1, $4  }
0x19: {  	s14 =	simm.s32 @!p1 $0x3  }
0x1a: {  	s16 =	sadd.s32 $0x1, s12;
	_ =	swait.ge @!p1 [sflag:s14], $0x2800  }
0x1b: {  	p0 =	por !p0, !p0;
	s13 =	smov.u32 s11;
	[sflag:s14] =	ssyncset.done @!p1 $0x0  }
0x1c: {  	s12 =	smov.u32 s16;
	s11 =	smov.u32 s15;
	[sflag:s14] =	ssyncadd.s32 @!p1 $0xFFFFD800  }
.LBB2_1:
0x1d: {  	p1 =	sge.u32 s12, s9  }
0x1e: {  	s14 =	sxor.u32 @!p1 $0xFFFFFFFF, s12  }
0x1f: {  	s14 =	sand.u32 @!p1 $0x1, s14  }
0x20: {  	s14 =	smul.u32 @!p1 $0x140, s14  }
0x21: {  	s31 =	sadd.s32 $0xFFFFFFFF, s12;
	s15 =	sshrl.u32 @!p1 s11, $0x3  }
0x22: {  	s16 =	sand.u32 @!p1 $0x7, s11;
	s15 =	sadd.s32 @!p1 s5, s15;
	s14 =	sshrl.u32 @!p1 s14, $0x2  }
0x23: {  	[tilespmem:s14], [sflag:$0x2] =	stream.linear.gather @!p1 [hbm4b:s15+s16], $0x50, $0x38;
	[tilespmem:$0x50A0] =	vst v63  }
0x24: {  	p1 =	sge.u32 s31, s9  }
.Ltmp2:
0x25: {  	_ = 	snop;
	(pc) =	sbr.rel @p1 .LBB2_7-.Ltmp2, $1  }
0x26: {  	_ =	sdelay $0x3  }
0x27: {  	s14 =	simm.s32 $0x1  }
0x28: {  	s14 =	simm.s32 @!p0 $0x0  }
0x29: {  	s15 =	smul.u32 $0x140, s14  }
0x2a: {  	_ =	swait.ge [sflag:s8], $0x50  }
0x2b: {  	[sflag:s8] =	ssyncset.done $0x0;
	s16 =	sshrl.u32 s15, $0x2  }
0x2c: {  	[sflag:s8] =	ssyncadd.s32 $0xFFFFFFB0;
	s15 =	sadd.s32 $0x0, s16  }
0x2d: {  	v0 =	vld.msk [tilespmem:s15+$0x0 ss:$0x1], $0xffff;
	_ =	sdelay $0x4  }
0x2e: {  	vm2 =	vgt.s32 v0, $0x0  }
0x2f: {  	v0 =	vnsel vm2, $0x0, v0  }
0x30: {  	v0 =	vmin.u32 v0, $0x7CF  }
0x31: {  	v0 =	vshll.u32 v0, $0x4  }
0x32: {  	s14 =	smul.u32 $0xA000, s14;
	_ =	sdelay $0x1  }
0x33: {  	s14 =	sshrl.u32 s14, $0x2  }
0x34: {  	s14 =	sor.u32 $0xA0, s14  }
0x35: {  	[tilespmem:s14], [sflag:$0x1] =	stream.indirect_vreg.gather [hbm:s4], $0x80, v0, vm0, $0x38;
	[tilespmem:$0x50A0] =	vst v63  }
0x36: {  	s17 =	sadd.s32 $0x10, s16;
	s15 =	sadd.s32 $0x400, s14  }
0x37: {  	[tilespmem:s15], [sflag:$0x1] =	stream.indirect_vreg.gather [hbm:s4], $0x80, v0, vm1, $0x38;
	[tilespmem:$0x50A0] =	vst v63  }
0x38: {  	s18 =	simm.s32 $0x80;
	v0 =	vld.msk [tilespmem:s17+$0x0 ss:$0x1], $0xffff;
	s17 =	smov.u32 s14  }
.LBB2_3:
0x39: {  	p1 =	sne.s32 s18, $0x100;
	_ =	sdelay $0x4  }
0x3a: {  	vm2 =	vgt.s32 v0, $0x0  }
0x3b: {  	v0 =	vnsel vm2, $0x0, v0  }
0x3c: {  	v0 =	vmin.u32 v0, $0x7CF  }
0x3d: {  	v0 =	vshll.u32 v0, $0x4;
	_ =	sdelay $0x3  }
.Ltmp3:
0x3e: {  	s19 =	sshra.s32 s18, $0x2;
	s17 =	sadd.s32 $0x800, s17;
	(pc) =	sbr.rel @p1 .LBB2_3-.Ltmp3, $4  }
0x3f: {  	[tilespmem:s17], [sflag:$0x1] =	stream.indirect_vreg.gather [hbm:s4], $0x80, v0, vm0, $0x38;
	[tilespmem:$0x50A0] =	vst v63  }
0x40: {  	s19 =	sadd.s32 s19, s16;
	s20 =	sadd.s32 $0x400, s17  }
0x41: {  	[tilespmem:s20], [sflag:$0x1] =	stream.indirect_vreg.gather [hbm:s4], $0x80, v0, vm1, $0x38;
	[tilespmem:$0x50A0] =	vst v63  }
0x42: {  	s18 =	sadd.s32 $0x40, s18;
	v0 =	vld.msk [tilespmem:s19+$0x0 ss:$0x1], $0xffff  }
0x43: {  	_ =	sdelay $0x3  }
0x44: {  	vm2 =	vgt.s32 v0, $0x0  }
0x45: {  	v0 =	vnsel vm2, $0x0, v0  }
0x46: {  	v0 =	vmin.u32 v0, $0x7CF  }
0x47: {  	v0 =	vshll.u32 v0, $0x4;
	_ =	sdelay $0x3  }
0x48: {  	s16 =	sadd.s32 $0x800, s17  }
0x49: {  	[tilespmem:s16], [sflag:$0x1] =	stream.indirect_vreg.gather [hbm:s4], $0x80, v0, vm0, $0x38;
	[tilespmem:$0x50A0] =	vst v63  }
0x4a: {  	s16 =	sadd.s32 $0x400, s16  }
0x4b: {  	[tilespmem:s16], [sflag:$0x1] =	stream.indirect_vreg.gather [hbm:s4], $0x80, v0, vm1, $0x38;
	[tilespmem:$0x50A0] =	vst v63  }
0x4c: {  	s13 =	sshll.u32 s13, $0x4;
	_ =	swait.ge [sflag:s7], $0x2800  }
0x4d: {  	s13 =	sadd.s32 s13, s6;
	[sflag:s7] =	ssyncset.done $0x0  }
0x4e: {  	s17 =	sadd.s32 $0x0, s13;
	s16 =	simm.s32 $0x80;
	[sflag:s7] =	ssyncadd.s32 $0xFFFFD800  }
.LBB2_5:
0x4f: {  	[hbm:s17] =	stream.linear.scatter [tilespmem:s14], [sflag:$0x3], $0x400, $0x38;
	[tilespmem:$0x50A0] =	vst v63  }
0x50: {  	s17 =	smov.u32 s16;
	s14 =	smov.u32 s15;
	p1 =	sne.s32 s16, $0x480  }
.Ltmp4:
0x51: {  	s16 =	sadd.s32 $0x80, s16;
	(pc) =	sbr.rel @p1 .LBB2_5-.Ltmp4, $2  }
0x52: {  	_ =	sdelay $0x2  }
0x53: {  	s15 =	sadd.s32 $0x400, s15;
	s17 =	sadd.s32 s17, s13  }
.Ltmp5:
0x54: {  	_ = 	snop;
	(pc) =	sbr.rel .LBB2_6-.Ltmp5, $1  }
0x55: {  	_ =	sdelay $0x3  }
.LBB2_8:
0x56: {  	_ =	sfence.sel $0x180000  }
0x57: {  	s1 =	simm.s32 $0x2;
	[bflag:$0x0] =	sbarrier.arrive $0xFFFF  }
0x58: {  	s30 =	simm.s32 $0x3;
	[sflag:s1] =	ssyncpa.u1 $0x1  }
0x59: {  	s31 =	simm.s32 $0x1;
	[sflag:s30] =	ssyncpa.u1 $0x1  }
0x5a: {  	[sflag:s31] =	ssyncpa.u1 $0x1  }
0x5b: {  	p0 =	sne.s32 s0, $0x0;
	_ =	strace $0x90000047  }
0x5c: {  	s0 =	sadd.s32 @!p0 $0x100000, s2;
	[bflag:$0x2] =	sbarrier.arrive $0xFFFF  }
0x5d: {  	[sflag:s0] =	ssyncadd.tile.s32 @!p0 $0x1;
	_ =	shalt  }
.Lfunc_end2:
_tile_overlayer_lowered:
.L_overlay_start_2:
0x5e: {  	(tag) =	ssettag $0x2  }
0x5f: {  	s0 =	rddreg [dreg:$0x0];
	s2 =	stileid.u32  }
0x60: {  	s1 =	rddreg [dreg:$0x1];
	p0 =	sne.s32 s2, $0x0  }
0x61: {  	s3 =	rddreg [dreg:$0x2];
	[bflag:$0x3] =	sbarrier.arrive $0xFFFF;
	s2 =	simm.s32 @!p0 $0x1C01  }
0x62: {  	[timem:s3], [sflag:s2] =	dma.local @!p0 [hbm:s0], s1  }
0x63: {  	s0 =	simm.s32 @!p0 $0x1  }
0x64: {  	_ =	swait.ge @!p0 [sflag:s0], s1  }
0x65: {  	s1 =	ssub.s32 @!p0 $0x0, s1;
	[sflag:s0] =	ssyncset.done @!p0 $0x0  }
0x66: {  	[sflag:s0] =	ssyncadd.s32 @!p0 s1  }
0x67: {  	[bflag:$0x3] =	sbarrier.arrive $0xFFFF  }
0x68: {  	_ =	shalt  }

</sc_bundles>
